<compile_context>
chip_gen: v7x
topology: tpu7x:2x2x1
jax: 0.10.2.dev20260603
libtpu: 0.0.44.dev20260713+nightly
codegen_flags: <defaults>
</compile_context>

<pallas_src>
import functools

import jax
import jax.numpy as jnp
from jax import lax
from jax.experimental import pallas as pl
from jax.experimental.pallas import tpu as pltpu
from jax.experimental.pallas import tpu_sc as plsc

N_FEATURES = 26
VOCAB = 100000
EMBED_DIM = 64
BATCH = 16384

R = BATCH * N_FEATURES
NC, NS, L = 2, 16, 16
NW = NC * NS
ROWS_PER_W = R // NW
CHUNK = 512
GROUP = 128
N_GROUPS = CHUNK // GROUP
N_CHUNKS = ROWS_PER_W // CHUNK

_mesh = plsc.VectorSubcoreMesh(core_axis_name="c", subcore_axis_name="s")


@functools.partial(
    pl.kernel,
    out_type=jax.ShapeDtypeStruct((R, EMBED_DIM), jnp.float32),
    mesh=_mesh,
    scratch_types=[
        pltpu.VMEM((CHUNK,), jnp.int32),
        pltpu.VMEM((CHUNK, EMBED_DIM), jnp.float32),
        pltpu.SemaphoreType.DMA,
    ],
    compiler_params=pltpu.CompilerParams(use_tc_tiling_on_sc=False),
)
def _emb_gather(table_hbm, idx_hbm, out_hbm, idx_v, rows_v, sem):
    wid = lax.axis_index("s") * NC + lax.axis_index("c")
    wbase = wid * ROWS_PER_W
    iota = lax.iota(jnp.int32, L)

    def chunk_body(k, carry):
        base = wbase + k * CHUNK
        pltpu.sync_copy(idx_hbm.at[pl.ds(base, CHUNK)], idx_v)

        def vec_body(i, c):
            off = lax.rem(base + i * L + iota, N_FEATURES) * VOCAB
            idx_v[pl.ds(i * L, L)] = idx_v[pl.ds(i * L, L)] + off
            return c

        lax.fori_loop(0, CHUNK // L, vec_body, 0)

        copies = [
            pltpu.async_copy(
                table_hbm.at[idx_v.at[pl.ds(j * GROUP, GROUP)]],
                rows_v.at[pl.ds(j * GROUP, GROUP)],
                sem,
            )
            for j in range(N_GROUPS)
        ]
        for c in copies:
            c.wait()
        pltpu.sync_copy(rows_v, out_hbm.at[pl.ds(base, CHUNK)])
        return carry

    lax.fori_loop(0, N_CHUNKS, chunk_body, 0)


def kernel(indices, tables):
    flat_idx = indices.reshape(R)
    flat_tab = tables.reshape(N_FEATURES * VOCAB, EMBED_DIM)
    out = _emb_gather(flat_tab, flat_idx)
    return out.reshape(BATCH, N_FEATURES * EMBED_DIM)

# --- scband reference (transcript-rebuilt; emitter-appended) ---
"""Pipeline reference for scband-user-model-61649960567037 (READ-ONLY COPY).

The authoritative reference and input builder live on the scoring server;
editing this copy changes nothing except your own understanding.
"""

import jax, jax.numpy as jnp
import numpy as np

N_FEATURES = 26
VOCAB = 100000
EMBED_DIM = 64
BATCH = 16384


def setup_inputs(seed: int = 0) -> dict:
    key = jax.random.key(seed)
    k1, k2 = jax.random.split(key)
    # indices[b, f] is the (already string-looked-up) integer id for feature f of example b
    indices = jax.random.randint(k1, (BATCH, N_FEATURES), 0, VOCAB, dtype=jnp.int32)
    # one embedding table per sparse feature field, stacked: [n_features, vocab, embed_dim]
    tables = jax.random.normal(k2, (N_FEATURES, VOCAB, EMBED_DIM), dtype=jnp.float32) * 0.05
    return {"indices": indices, "tables": tables}


def reference(indices, tables):
    # For each feature field f: gather tables[f][indices[:, f]] -> [B, embed_dim]
    # then concat along axis 1 -> [B, n_features * embed_dim], matching
    # tf.concat([emb_layer[name](x[name]) for name in names], axis=1)
    emb = jax.vmap(lambda t, i: jnp.take(t, i, axis=0), in_axes=(0, 1), out_axes=1)(tables, indices)
    # emb: [B, n_features, embed_dim]
    return emb.reshape(indices.shape[0], N_FEATURES * EMBED_DIM)

if __name__ == "__main__":
    import jax
    _d = setup_inputs()
    print(jax.jit(kernel)(*tuple(_d.values())))

</pallas_src>

<mosaic_0001>
#map = affine_map<(d0, d1) -> (0, 0)>
#map1 = affine_map<(d0, d1) -> (0)>
module attributes {stable_mosaic.version = 14 : i64} {
  func.func @_emb_gather(%arg0: i32, %arg1: i32, %arg2: memref<2600000x64xf32, #tpu.memory_space<hbm>>, %arg3: memref<425984xi32, #tpu.memory_space<hbm>>, %arg4: memref<425984x64xf32, #tpu.memory_space<hbm>>, %arg5: memref<512xi32, #tpu.memory_space<vmem>>, %arg6: memref<512x64xf32, #tpu.memory_space<vmem>>, %arg7: memref<!tpu.dma_semaphore, #tpu.memory_space<semaphore_mem>>) attributes {dimension_semantics = [#tpu.dimension_semantics<core_parallel>, #tpu.dimension_semantics<subcore_parallel>], iteration_bounds = array<i64: 2, 16>, scalar_prefetch = 0 : i64, scratch_operands = 3 : i64, tpu.core_type = #tpu.core_type<sc_vector_subcore>, window_params = [{transform_indices = #map}, {transform_indices = #map1}, {transform_indices = #map}]} {
    %mul3A = arith.constant 2 : i32
    %mul3A_0 = arith.muli %arg1, %mul3A : i32
    %add3A = arith.addi %mul3A_0, %arg0 : i32
    %mul3A_1 = arith.constant 13312 : i32
    %mul3A_2 = arith.muli %add3A, %mul3A_1 : i32
    %iota3A = tpu.iota {dimensions = array<i32: 0>} : vector<16xi32>
    %scan3A = arith.constant 0 : i32
    %scan3A_3 = arith.constant 0 : i32
    %scan3A_4 = arith.constant 26 : i32
    %scan3A_5 = arith.addi %scan3A_3, %scan3A_4 : i32
    %scan3A_6 = arith.constant 1 : i32
    scf.for %scan3A_8 = %scan3A_3 to %scan3A_5 step %scan3A_6  : i32 {
      %mul3A_9 = arith.constant 512 : i32
      %mul3A_10 = arith.muli %scan3A_8, %mul3A_9 : i32
      %add3A_11 = arith.addi %mul3A_2, %mul3A_10 : i32
      "tpu.region"() ({
        %run_scoped3A = tpu.sem_alloc : memref<!tpu.dma_semaphore, #tpu.memory_space<semaphore_mem>>
        %dma_start3A_80 = tpu.memref_slice %arg3[%add3A_11] : memref<425984xi32, #tpu.memory_space<hbm>> -> memref<512xi32, #tpu.memory_space<hbm>>
        %dma_start3A_81 = tpu.memref_slice %arg3[%add3A_11] : memref<425984xi32, #tpu.memory_space<hbm>> -> memref<512xi32, #tpu.memory_space<hbm>>
        tpu.enqueue_dma source(%dma_start3A_81 : memref<512xi32, #tpu.memory_space<hbm>>) target(%arg5 : memref<512xi32, #tpu.memory_space<vmem>>) target_semaphore(%run_scoped3A : memref<!tpu.dma_semaphore, #tpu.memory_space<semaphore_mem>>)
        %dma_wait3A_82 = tpu.memref_slice %arg3[%add3A_11] : memref<425984xi32, #tpu.memory_space<hbm>> -> memref<512xi32, #tpu.memory_space<hbm>>
        %dma_wait3A_83 = tpu.memref_slice %arg3[%add3A_11] : memref<425984xi32, #tpu.memory_space<hbm>> -> memref<512xi32, #tpu.memory_space<hbm>>
        tpu.wait_dma2 semaphore(%run_scoped3A : memref<!tpu.dma_semaphore, #tpu.memory_space<semaphore_mem>>) src(%dma_wait3A_83 : memref<512xi32, #tpu.memory_space<hbm>>) dst(%arg5 : memref<512xi32, #tpu.memory_space<vmem>>)
        tpu.yield
      }) : () -> ()
      %scan3A_12 = arith.constant 0 : i32
      %scan3A_13 = arith.constant 0 : i32
      %scan3A_14 = arith.constant 32 : i32
      %scan3A_15 = arith.addi %scan3A_13, %scan3A_14 : i32
      %scan3A_16 = arith.constant 1 : i32
      scf.for %scan3A_80 = %scan3A_13 to %scan3A_15 step %scan3A_16  : i32 {
        %mul3A_81 = arith.constant 16 : i32
        %mul3A_82 = arith.muli %scan3A_80, %mul3A_81 : i32
        %add3A_83 = arith.addi %add3A_11, %mul3A_82 : i32
        %add3A_84 = vector.broadcast %add3A_83 : i32 to vector<16xi32>
        %add3A_85 = arith.addi %add3A_84, %iota3A : vector<16xi32>
        %rem3A = arith.constant 26 : i32
        %rem3A_86 = vector.broadcast %rem3A : i32 to vector<16xi32>
        %rem3A_87 = arith.remsi %add3A_85, %rem3A_86 : vector<16xi32>
        %mul3A_88 = arith.constant 100000 : i32
        %mul3A_89 = vector.broadcast %mul3A_88 : i32 to vector<16xi32>
        %mul3A_90 = arith.muli %rem3A_87, %mul3A_89 : vector<16xi32>
        %mul3A_91 = arith.constant 16 : i32
        %mul3A_92 = arith.muli %scan3A_80, %mul3A_91 : i32
        %get3A = arith.index_cast %mul3A_92 : i32 to index
        %get3A_93 = tpu.vector_load %arg5[%get3A] {strides = array<i32>} : memref<512xi32, #tpu.memory_space<vmem>>, vector<16xi32>,
        %get3A_94 = vector.shape_cast %get3A_93 : vector<16xi32> to vector<16xi32>
        %add3A_95 = arith.addi %get3A_94, %mul3A_90 : vector<16xi32>
        %mul3A_96 = arith.constant 16 : i32
        %mul3A_97 = arith.muli %scan3A_80, %mul3A_96 : i32
        %swap3A = arith.index_cast %mul3A_97 : i32 to index
        %swap3A_98 = tpu.vector_load %arg5[%swap3A] {strides = array<i32>} : memref<512xi32, #tpu.memory_space<vmem>>, vector<16xi32>,
        %swap3A_99 = vector.shape_cast %swap3A_98 : vector<16xi32> to vector<16xi32>
        %swap3A_100 = vector.shape_cast %add3A_95 : vector<16xi32> to vector<16xi32>
        tpu.vector_store %arg5[%swap3A], %swap3A_100 {strides = array<i32>} : memref<512xi32, #tpu.memory_space<vmem>>, vector<16xi32>,
      }
      %scan3A_17 = arith.constant 32 : i32
      %dma_start3A = arith.constant 0 : i32
      %dma_start3A_18 = arith.constant 0 : i32
      %dma_start3A_19 = tpu.memref_slice %arg6[%dma_start3A, %dma_start3A_18] : memref<512x64xf32, #tpu.memory_space<vmem>> -> memref<128x64xf32, #tpu.memory_space<vmem>>
      %dma_start3A_20 = arith.constant 0 : i32
      %dma_start3A_21 = tpu.memref_slice %arg5[%dma_start3A_20] : memref<512xi32, #tpu.memory_space<vmem>> -> memref<128xi32, #tpu.memory_space<vmem>>
      %dma_start3A_22 = arith.constant 0 : i32
      %dma_start3A_23 = arith.constant 0 : i32
      %dma_start3A_24 = tpu.memref_slice %arg2[%dma_start3A_22, %dma_start3A_23] : memref<2600000x64xf32, #tpu.memory_space<hbm>> -> memref<2600000x64xf32, #tpu.memory_space<hbm>>
      tpu.enqueue_indirect_dma source(%dma_start3A_24 : memref<2600000x64xf32, #tpu.memory_space<hbm>>) target(%dma_start3A_19 : memref<128x64xf32, #tpu.memory_space<vmem>>) offsets(%dma_start3A_21 : memref<128xi32, #tpu.memory_space<vmem>>) semaphore(%arg7 : memref<!tpu.dma_semaphore, #tpu.memory_space<semaphore_mem>>)
      %dma_start3A_25 = arith.constant 128 : i32
      %dma_start3A_26 = arith.constant 0 : i32
      %dma_start3A_27 = tpu.memref_slice %arg6[%dma_start3A_25, %dma_start3A_26] : memref<512x64xf32, #tpu.memory_space<vmem>> -> memref<128x64xf32, #tpu.memory_space<vmem>>
      %dma_start3A_28 = arith.constant 128 : i32
      %dma_start3A_29 = tpu.memref_slice %arg5[%dma_start3A_28] : memref<512xi32, #tpu.memory_space<vmem>> -> memref<128xi32, #tpu.memory_space<vmem>>
      %dma_start3A_30 = arith.constant 0 : i32
      %dma_start3A_31 = arith.constant 0 : i32
      %dma_start3A_32 = tpu.memref_slice %arg2[%dma_start3A_30, %dma_start3A_31] : memref<2600000x64xf32, #tpu.memory_space<hbm>> -> memref<2600000x64xf32, #tpu.memory_space<hbm>>
      tpu.enqueue_indirect_dma source(%dma_start3A_32 : memref<2600000x64xf32, #tpu.memory_space<hbm>>) target(%dma_start3A_27 : memref<128x64xf32, #tpu.memory_space<vmem>>) offsets(%dma_start3A_29 : memref<128xi32, #tpu.memory_space<vmem>>) semaphore(%arg7 : memref<!tpu.dma_semaphore, #tpu.memory_space<semaphore_mem>>)
      %dma_start3A_33 = arith.constant 256 : i32
      %dma_start3A_34 = arith.constant 0 : i32
      %dma_start3A_35 = tpu.memref_slice %arg6[%dma_start3A_33, %dma_start3A_34] : memref<512x64xf32, #tpu.memory_space<vmem>> -> memref<128x64xf32, #tpu.memory_space<vmem>>
      %dma_start3A_36 = arith.constant 256 : i32
      %dma_start3A_37 = tpu.memref_slice %arg5[%dma_start3A_36] : memref<512xi32, #tpu.memory_space<vmem>> -> memref<128xi32, #tpu.memory_space<vmem>>
      %dma_start3A_38 = arith.constant 0 : i32
      %dma_start3A_39 = arith.constant 0 : i32
      %dma_start3A_40 = tpu.memref_slice %arg2[%dma_start3A_38, %dma_start3A_39] : memref<2600000x64xf32, #tpu.memory_space<hbm>> -> memref<2600000x64xf32, #tpu.memory_space<hbm>>
      tpu.enqueue_indirect_dma source(%dma_start3A_40 : memref<2600000x64xf32, #tpu.memory_space<hbm>>) target(%dma_start3A_35 : memref<128x64xf32, #tpu.memory_space<vmem>>) offsets(%dma_start3A_37 : memref<128xi32, #tpu.memory_space<vmem>>) semaphore(%arg7 : memref<!tpu.dma_semaphore, #tpu.memory_space<semaphore_mem>>)
      %dma_start3A_41 = arith.constant 384 : i32
      %dma_start3A_42 = arith.constant 0 : i32
      %dma_start3A_43 = tpu.memref_slice %arg6[%dma_start3A_41, %dma_start3A_42] : memref<512x64xf32, #tpu.memory_space<vmem>> -> memref<128x64xf32, #tpu.memory_space<vmem>>
      %dma_start3A_44 = arith.constant 384 : i32
      %dma_start3A_45 = tpu.memref_slice %arg5[%dma_start3A_44] : memref<512xi32, #tpu.memory_space<vmem>> -> memref<128xi32, #tpu.memory_space<vmem>>
      %dma_start3A_46 = arith.constant 0 : i32
      %dma_start3A_47 = arith.constant 0 : i32
      %dma_start3A_48 = tpu.memref_slice %arg2[%dma_start3A_46, %dma_start3A_47] : memref<2600000x64xf32, #tpu.memory_space<hbm>> -> memref<2600000x64xf32, #tpu.memory_space<hbm>>
      tpu.enqueue_indirect_dma source(%dma_start3A_48 : memref<2600000x64xf32, #tpu.memory_space<hbm>>) target(%dma_start3A_43 : memref<128x64xf32, #tpu.memory_space<vmem>>) offsets(%dma_start3A_45 : memref<128xi32, #tpu.memory_space<vmem>>) semaphore(%arg7 : memref<!tpu.dma_semaphore, #tpu.memory_space<semaphore_mem>>)
      %dma_wait3A = arith.constant 0 : i32
      %dma_wait3A_49 = arith.constant 0 : i32
      %dma_wait3A_50 = tpu.memref_slice %arg6[%dma_wait3A, %dma_wait3A_49] : memref<512x64xf32, #tpu.memory_space<vmem>> -> memref<128x64xf32, #tpu.memory_space<vmem>>
      %dma_wait3A_51 = arith.constant 0 : i32
      %dma_wait3A_52 = tpu.memref_slice %arg5[%dma_wait3A_51] : memref<512xi32, #tpu.memory_space<vmem>> -> memref<128xi32, #tpu.memory_space<vmem>>
      %dma_wait3A_53 = arith.constant 0 : i32
      %dma_wait3A_54 = arith.constant 0 : i32
      %dma_wait3A_55 = tpu.memref_slice %arg2[%dma_wait3A_53, %dma_wait3A_54] : memref<2600000x64xf32, #tpu.memory_space<hbm>> -> memref<2600000x64xf32, #tpu.memory_space<hbm>>
      tpu.wait_indirect_dma semaphore(%arg7 : memref<!tpu.dma_semaphore, #tpu.memory_space<semaphore_mem>>) src(%dma_wait3A_55 : memref<2600000x64xf32, #tpu.memory_space<hbm>>) dst(%dma_wait3A_50 : memref<128x64xf32, #tpu.memory_space<vmem>>)
      %dma_wait3A_56 = arith.constant 128 : i32
      %dma_wait3A_57 = arith.constant 0 : i32
      %dma_wait3A_58 = tpu.memref_slice %arg6[%dma_wait3A_56, %dma_wait3A_57] : memref<512x64xf32, #tpu.memory_space<vmem>> -> memref<128x64xf32, #tpu.memory_space<vmem>>
      %dma_wait3A_59 = arith.constant 128 : i32
      %dma_wait3A_60 = tpu.memref_slice %arg5[%dma_wait3A_59] : memref<512xi32, #tpu.memory_space<vmem>> -> memref<128xi32, #tpu.memory_space<vmem>>
      %dma_wait3A_61 = arith.constant 0 : i32
      %dma_wait3A_62 = arith.constant 0 : i32
      %dma_wait3A_63 = tpu.memref_slice %arg2[%dma_wait3A_61, %dma_wait3A_62] : memref<2600000x64xf32, #tpu.memory_space<hbm>> -> memref<2600000x64xf32, #tpu.memory_space<hbm>>
      tpu.wait_indirect_dma semaphore(%arg7 : memref<!tpu.dma_semaphore, #tpu.memory_space<semaphore_mem>>) src(%dma_wait3A_63 : memref<2600000x64xf32, #tpu.memory_space<hbm>>) dst(%dma_wait3A_58 : memref<128x64xf32, #tpu.memory_space<vmem>>)
      %dma_wait3A_64 = arith.constant 256 : i32
      %dma_wait3A_65 = arith.constant 0 : i32
      %dma_wait3A_66 = tpu.memref_slice %arg6[%dma_wait3A_64, %dma_wait3A_65] : memref<512x64xf32, #tpu.memory_space<vmem>> -> memref<128x64xf32, #tpu.memory_space<vmem>>
      %dma_wait3A_67 = arith.constant 256 : i32
      %dma_wait3A_68 = tpu.memref_slice %arg5[%dma_wait3A_67] : memref<512xi32, #tpu.memory_space<vmem>> -> memref<128xi32, #tpu.memory_space<vmem>>
      %dma_wait3A_69 = arith.constant 0 : i32
      %dma_wait3A_70 = arith.constant 0 : i32
      %dma_wait3A_71 = tpu.memref_slice %arg2[%dma_wait3A_69, %dma_wait3A_70] : memref<2600000x64xf32, #tpu.memory_space<hbm>> -> memref<2600000x64xf32, #tpu.memory_space<hbm>>
      tpu.wait_indirect_dma semaphore(%arg7 : memref<!tpu.dma_semaphore, #tpu.memory_space<semaphore_mem>>) src(%dma_wait3A_71 : memref<2600000x64xf32, #tpu.memory_space<hbm>>) dst(%dma_wait3A_66 : memref<128x64xf32, #tpu.memory_space<vmem>>)
      %dma_wait3A_72 = arith.constant 384 : i32
      %dma_wait3A_73 = arith.constant 0 : i32
      %dma_wait3A_74 = tpu.memref_slice %arg6[%dma_wait3A_72, %dma_wait3A_73] : memref<512x64xf32, #tpu.memory_space<vmem>> -> memref<128x64xf32, #tpu.memory_space<vmem>>
      %dma_wait3A_75 = arith.constant 384 : i32
      %dma_wait3A_76 = tpu.memref_slice %arg5[%dma_wait3A_75] : memref<512xi32, #tpu.memory_space<vmem>> -> memref<128xi32, #tpu.memory_space<vmem>>
      %dma_wait3A_77 = arith.constant 0 : i32
      %dma_wait3A_78 = arith.constant 0 : i32
      %dma_wait3A_79 = tpu.memref_slice %arg2[%dma_wait3A_77, %dma_wait3A_78] : memref<2600000x64xf32, #tpu.memory_space<hbm>> -> memref<2600000x64xf32, #tpu.memory_space<hbm>>
      tpu.wait_indirect_dma semaphore(%arg7 : memref<!tpu.dma_semaphore, #tpu.memory_space<semaphore_mem>>) src(%dma_wait3A_79 : memref<2600000x64xf32, #tpu.memory_space<hbm>>) dst(%dma_wait3A_74 : memref<128x64xf32, #tpu.memory_space<vmem>>)
      "tpu.region"() ({
        %run_scoped3A = tpu.sem_alloc : memref<!tpu.dma_semaphore, #tpu.memory_space<semaphore_mem>>
        %dma_start3A_80 = arith.constant 0 : i32
        %dma_start3A_81 = tpu.memref_slice %arg4[%add3A_11, %dma_start3A_80] : memref<425984x64xf32, #tpu.memory_space<hbm>> -> memref<512x64xf32, #tpu.memory_space<hbm>>
        %dma_start3A_82 = arith.constant 0 : i32
        %dma_start3A_83 = tpu.memref_slice %arg4[%add3A_11, %dma_start3A_82] : memref<425984x64xf32, #tpu.memory_space<hbm>> -> memref<512x64xf32, #tpu.memory_space<hbm>>
        tpu.enqueue_dma source(%arg6 : memref<512x64xf32, #tpu.memory_space<vmem>>) target(%dma_start3A_83 : memref<512x64xf32, #tpu.memory_space<hbm>>) target_semaphore(%run_scoped3A : memref<!tpu.dma_semaphore, #tpu.memory_space<semaphore_mem>>)
        %dma_wait3A_84 = arith.constant 0 : i32
        %dma_wait3A_85 = tpu.memref_slice %arg4[%add3A_11, %dma_wait3A_84] : memref<425984x64xf32, #tpu.memory_space<hbm>> -> memref<512x64xf32, #tpu.memory_space<hbm>>
        %dma_wait3A_86 = arith.constant 0 : i32
        %dma_wait3A_87 = tpu.memref_slice %arg4[%add3A_11, %dma_wait3A_86] : memref<425984x64xf32, #tpu.memory_space<hbm>> -> memref<512x64xf32, #tpu.memory_space<hbm>>
        tpu.wait_dma2 semaphore(%run_scoped3A : memref<!tpu.dma_semaphore, #tpu.memory_space<semaphore_mem>>) src(%arg6 : memref<512x64xf32, #tpu.memory_space<vmem>>) dst(%dma_wait3A_87 : memref<512x64xf32, #tpu.memory_space<hbm>>)
        tpu.yield
      }) : () -> ()
    }
    %scan3A_7 = arith.constant 26 : i32
    return
  }
}

</mosaic_0001>

<sc_bundles>
// kernel: kernel.3.cloned.1.call-start
scs
__scs_entry_jumppad:
0x0: {  	(pc) =	sbr.rel $0x88, $3  }
0x1: {  	(tag) =	ssettag $0x0;
	lr =	simm.s32 $0x1  }
0x2: {  	[smem:$0x3F9F] =	sst lr;
	_ =	strace $0xD0000000  }
0x3: {  	_ = 	snop  }
0x4: {  	_ = 	snop  }
0x5: {  	_ = 	snop  }
0x6: {  	_ = 	snop  }
0x7: {  	_ = 	snop  }
__scs_overlays_trampoline_lowered:
0x8: {  	[smem:$0x3FAE] =	sst s0  }
0x9: {  	[smem:$0x3FAF] =	sst s1  }
0xa: {  	[smem:$0x3FB0] =	sst s2  }
0xb: {  	[smem:$0x3FB1] =	sst s3  }
0xc: {  	[smem:$0x3FB2] =	sst s4  }
0xd: {  	[smem:$0x3FB3] =	sst s5  }
0xe: {  	[smem:$0x3FB4] =	sst s6  }
0xf: {  	[smem:$0x3FB5] =	sst s7  }
0x10: {  	[smem:$0x3FB6] =	sst s8  }
0x11: {  	[smem:$0x3FB7] =	sst s9;
	s0 =	simm.s32 @!p0 $0x0  }
0x12: {  	s1 =	sld [smem:$0x3F9D];
	s0 =	simm.s32 @p0 $0x1  }
0x13: {  	[smem:$0x3FB8] =	sst s0;
	s0 =	simm.s32 @!p1 $0x0  }
0x14: {  	s2 =	sld [smem:$0x3F9C];
	s0 =	simm.s32 @p1 $0x1  }
0x15: {  	[smem:$0x3FB9] =	sst s0;
	s0 =	simm.s32 @!p2 $0x0  }
0x16: {  	s3 =	sld [smem:$0x3FDB];
	s0 =	simm.s32 @p2 $0x1  }
0x17: {  	s4 =	simm.s32 $0x1BF5;
	[smem:$0x3FBB] =	sst s0  }
0x18: {  	s0 =	sld [smem:$0x3F9E];
	_ =	swait.ge [sflag:s4], $0x0  }
0x19: {  	s7 =	sld [smem:$0x3F9F]  }
0x1a: {  	s8 =	sadd.s32 $0xFFFFE003, lr  }
0x1b: {  	s9 =	sadd.s32 $0xFFFFFEF7, lr;
	s5 =	simm.s32 $0xFFFFFFFF;
	p2 =	slt.u32 s8, $0xFFFFF086  }
0x1c: {  	p1 =	slt.u32 s9, $0xF7A;
	s5 =	simm.s32 @!p2 $0x0  }
0x1d: {  	s5 =	simm.s32 @p1 $0x1;
	p0 =	seq.s32 s7, s2  }
0x1e: {  	s7 =	smul.u32 @!p0 $0xF7A, s2;
	p2 =	seq.s32 @!p0 s5, $0x0  }
0x1f: {  	s9 =	smul.u32 $0xF7A, s1;
	s8 =	simm.s32 @!p0 $0x1BF5;
	p2 =	por !p2, p0  }
0x20: {  	[sflag:s8] =	ssyncset.s32 @!p0 $0xFFFFF086;
	s6 =	sadd.s32 @!p0 s3, s7;
	s7 =	simm.s32 @!p0 $0x108  }
0x21: {  	s3 =	sadd.s32 s3, s9;
	s6 =	sadd.s32 @!p0 $0x88, s6;
	s7 =	simm.s32 @p2 $0x1082  }
0x22: {  	[simem:s7], [sflag:s8] =	dma.local @!p0 [hbm:s6], $0xF7A  }
0x23: {  	s9 =	sor.u32 $0xD0000000, s2;
	s6 =	simm.s32 $0x108;
	_ =	swait.ge @!p0 [sflag:s8], $0x0  }
0x24: {  	s3 =	sadd.s32 $0x88, s3;
	s6 =	simm.s32 @!p1 $0x1082;
	[sflag:s4] =	ssyncset.s32 $0xFFFFF086  }
0x25: {  	[simem:s6], [sflag:s4] =	dma.local [hbm:s3], $0xF7A  }
0x26: {  	[smem:$0x3F9F] =	sst s1;
	(tag) =	ssettag s2;
	_ =	strace s9  }
0x27: {  	s1 =	sld [smem:$0x3FAF]  }
0x28: {  	s2 =	sld [smem:$0x3FB0]  }
0x29: {  	s4 =	sld [smem:$0x3FB2]  }
0x2a: {  	p0 =	seq.s32 s5, $0x0;
	s5 =	sld [smem:$0x3FB3]  }
0x2b: {  	s6 =	sld [smem:$0x3FB4]  }
0x2c: {  	s7 =	sld [smem:$0x3FB5]  }
0x2d: {  	s3 =	simm.s32 $0x108;
	s8 =	sld [smem:$0x3FB6]  }
0x2e: {  	s3 =	simm.s32 @!p0 $0x1082;
	s9 =	sld [smem:$0x3FB7]  }
0x2f: {  	lr =	sadd.s32 s0, s3;
	s0 =	sld [smem:$0x3FAE]  }
0x30: {  	s3 =	sld [smem:$0x3FB1]  }
0x31: {  	[smem:$0x3FBA] =	sst s10  }
0x32: {  	s10 =	sld [smem:$0x3FB8];
	_ =	sdelay $0x3  }
0x33: {  	p0 =	seq.s32 s10, $0x1;
	s10 =	sld [smem:$0x3FBA];
	_ =	sdelay $0x3  }
0x34: {  	[smem:$0x3FBA] =	sst s10  }
0x35: {  	s10 =	sld [smem:$0x3FB9];
	_ =	sdelay $0x3  }
0x36: {  	p1 =	seq.s32 s10, $0x1;
	s10 =	sld [smem:$0x3FBA];
	_ =	sdelay $0x3  }
0x37: {  	[smem:$0x3FBA] =	sst s10  }
0x38: {  	s10 =	sld [smem:$0x3FBB]  }
0x39: {  	_ = 	snop;
	(pc) =	sbr.ind lr, $3  }
0x3a: {  	_ = 	snop  }
0x3b: {  	_ = 	snop  }
0x3c: {  	p2 =	seq.s32 s10, $0x1;
	s10 =	sld [smem:$0x3FBA]  }
0x3d: {  	_ =	shalt  }
0x3e: {  	_ =	shalt  }
0x3f: {  	_ =	shalt  }
0x40: {  	_ =	shalt  }
0x41: {  	_ =	shalt  }
0x42: {  	_ =	shalt  }
0x43: {  	_ =	shalt  }
0x44: {  	_ =	shalt  }
0x45: {  	_ =	shalt  }
0x46: {  	_ =	shalt  }
0x47: {  	_ =	shalt  }
0x48: {  	_ =	shalt  }
0x49: {  	_ =	shalt  }
0x4a: {  	_ =	shalt  }
0x4b: {  	_ =	shalt  }
0x4c: {  	_ =	shalt  }
0x4d: {  	_ =	shalt  }
0x4e: {  	_ =	shalt  }
0x4f: {  	_ =	shalt  }
0x50: {  	_ =	shalt  }
0x51: {  	_ =	shalt  }
0x52: {  	_ =	shalt  }
0x53: {  	_ =	shalt  }
0x54: {  	_ =	shalt  }
0x55: {  	_ =	shalt  }
0x56: {  	_ =	shalt  }
0x57: {  	_ =	shalt  }
0x58: {  	_ =	shalt  }
0x59: {  	_ =	shalt  }
0x5a: {  	_ =	shalt  }
0x5b: {  	_ =	shalt  }
0x5c: {  	_ =	shalt  }
0x5d: {  	_ =	shalt  }
0x5e: {  	_ =	shalt  }
0x5f: {  	_ =	shalt  }
0x60: {  	_ =	shalt  }
0x61: {  	_ =	shalt  }
0x62: {  	_ =	shalt  }
0x63: {  	_ =	shalt  }
0x64: {  	_ =	shalt  }
0x65: {  	_ =	shalt  }
0x66: {  	_ =	shalt  }
0x67: {  	_ =	shalt  }
0x68: {  	_ =	shalt  }
0x69: {  	_ =	shalt  }
0x6a: {  	_ =	shalt  }
0x6b: {  	_ =	shalt  }
0x6c: {  	_ =	shalt  }
0x6d: {  	_ =	shalt  }
0x6e: {  	_ =	shalt  }
0x6f: {  	_ =	shalt  }
0x70: {  	_ =	shalt  }
0x71: {  	_ =	shalt  }
0x72: {  	_ =	shalt  }
0x73: {  	_ =	shalt  }
0x74: {  	_ =	shalt  }
0x75: {  	_ =	shalt  }
0x76: {  	_ =	shalt  }
0x77: {  	_ =	shalt  }
0x78: {  	_ =	shalt  }
0x79: {  	_ =	shalt  }
0x7a: {  	_ =	shalt  }
0x7b: {  	_ =	shalt  }
0x7c: {  	_ =	shalt  }
0x7d: {  	_ =	shalt  }
0x7e: {  	_ =	shalt  }
0x7f: {  	_ =	shalt  }
0x80: {  	_ =	shalt  }
0x81: {  	_ =	shalt  }
0x82: {  	_ =	shalt  }
0x83: {  	_ =	shalt  }
0x84: {  	_ =	shalt  }
0x85: {  	_ =	shalt  }
0x86: {  	_ =	shalt  }
0x87: {  	_ =	shalt  }
.Lfunc_end0:
.L_simem_size_0:
called_computation_lowered:
.L_overlay_start_0:
0x88: {  	s2 =	sld [smem:$0x3FD9]  }
0x89: {  	s3 =	sld [smem:$0x3FFE];
	_ =	sdelay $0x1  }
0x8a: {  	s1 =	srdreg.scid  }
0x8b: {  	s0 =	sand.u32 $0x1, s1  }
0x8c: {  	s17 =	sshll.u32 s0, $0xA;
	s2 =	sadd.s32 s3, s2  }
0x8d: {  	s2 =	sadd.s32 s2, s17  }
0x8e: {  	[smem:$0x3FC6] =	sst s2  }
0x8f: {  	_ = 	snop  }
0x90: {  	s2 =	sld [smem:$0x3FD0];
	(tm) =	ssettm $0x1  }
0x91: {  	s18 =	sld [smem:$0x3FFB];
	_ =	sdelay $0x3  }
0x92: {  	_ =	strace s18  }
0x93: {  	s3 =	sld [smem:$0x3FFC];
	_ =	sdelay $0x3  }
0x94: {  	_ =	strace s3  }
0x95: {  	s3 =	sld [smem:$0x3FFD];
	_ =	sdelay $0x3  }
0x96: {  	_ =	strace s3  }
0x97: {  	_ =	strace $0x8FFFFFFF  }
0x98: {  	s19 =	sld [smem:$0x3FDB];
	_ =	sdelay $0x1  }
0x99: {  	s4 =	simm.s32 $_scs_section_size  }
0x9a: {  	s5 =	simm.s32 $_size__tile_overlayer_lowered;
	s6 =	simm.s32 $_tile_overlayer_lowered  }
0x9b: {  	s22 =	simm.s32 $0x1BFF;
	s21 =	sshll.u32 s6, $0x1;
	s3 =	sadd.s32 s4, s19  }
0x9c: {  	s7 =	simm.s32 $0x0;
	s20 =	sshll.u32 s5, $0x1;
	s5 =	sadd.s32 s21, s3  }
0x9d: {  	[timem:s7], [sflag:s22] =	dma.local [hbm:s5], s20  }
0x9e: {  	_ =	swait.ge [sflag:s22], s20  }
0x9f: {  	s4 =	ssub.s32 $0x0, s20;
	[sflag:s22] =	ssyncset.done $0x0  }
0xa0: {  	[sflag:s22] =	ssyncadd.s32 s4;
	_ =	sdelay $0x1  }
0xa1: {  	s23 =	simm.s32 $0x1B8B  }
0xa2: {  	_ =	swait.ge [sflag:s23], $0x1  }
0xa3: {  	[sflag:s23] =	ssyncset.done $0x0  }
0xa4: {  	s25 =	simm.s32 $0x1B8E;
	s24 =	sld [smem:$0x3FFE];
	[sflag:s23] =	ssyncadd.s32 $0xFFFFFFFF  }
0xa5: {  	s26 =	simm.s32 $execute0_lowered;
	[smem:$0x3FD2] =	sst s25  }
0xa6: {  	s5 =	sshll.u32 s26, $0x1;
	_ =	strace $0x80000046;
	[dreg:$0x1] =	wrdreg $0xFFFFFFFF  }
0xa7: {  	s28 =	simm.s32 $_size_execute0_lowered;
	s3 =	sadd.s32 s3, s5;
	[dreg:$0x0] =	wrdreg $0x0  }
0xa8: {  	s5 =	sshll.u32 s28, $0x1;
	[dreg:$0x2] =	wrdreg s3  }
0xa9: {  	[dreg:$0x3] =	wrdreg s5  }
0xaa: {  	[dreg:$0x4] =	wrdreg $0xC0  }
0xab: {  	_ =	task [dreg:s7], $0x5FFFF  }
0xac: {  	[dreg:$0x1] =	wrdreg $0xFFFFFFFF  }
0xad: {  	[dreg:$0x0] =	wrdreg $0x60  }
0xae: {  	[dreg:$0x2] =	wrdreg s24  }
0xaf: {  	[dreg:$0x3] =	wrdreg s2  }
0xb0: {  	[dreg:$0x4] =	wrdreg $0x9  }
0xb1: {  	_ =	task.clear_ibuf [dreg:s7], $0x5FFFF;
	_ =	strace $0x90000046  }
0xb2: {  	s29 =	simm.s32 $0x9;
	_ =	strace $0x80000048  }
0xb3: {  	_ =	swait.ge [sflag:s29], $0x1  }
0xb4: {  	[sflag:s29] =	ssyncadd.s32 $0xFFFFFFFF  }
0xb5: {  	_ =	strace $0x90000048  }
0xb6: {  	_ =	sfence  }
0xb7: {  	s30 =	sld [smem:$0x0];
	_ =	sdelay $0x2  }
0xb8: {  	s31 =	sshll.u32 s1, $0xD;
	s1 =	sshrl.u32 s1, $0x2  }
0xb9: {  	s3 =	sand.u32 $0x4000, s31;
	s1 =	sadd.s32 s1, s30  }
0xba: {  	s0 =	sor.u32 s3, s0;
	s1 =	sshll.u32 s1, $0x11  }
0xbb: {  	s0 =	sor.u32 s1, s0  }
0xbc: {  	s0 =	sadd.s32 $0x8F2B, s0  }
0xbd: {  	[sflag:s0] =	ssyncadd.remote.s32 $0x1  }
0xbe: {  	_ =	sfence.sel $0xFFFF  }
0xbf: {  	[dreg:$0x0] =	wrdreg $0xFFFFFFFF;
	(pc) =	sbr.abs _section_cstart, $3  }
0xc0: {  	[dreg:$0x1] =	wrdreg $0xFFFFFFFF  }
0xc1: {  	_ =	task.clear_ibuf [dreg:s7], $0x2FFFF;
	_ =	strace $0x9FFFFFFF  }
0xc2: {  	(tm) =	ssettm $0x7FFFFFFF  }
0xc3: {  	_ =	shalt  }
tec
execute0_lowered:
.L_overlay_start_1:
0x0: {  	(tag) =	ssettag $0x1  }
0x1: {  	s5 =	rddreg [dreg:$0x0]  }
0x2: {  	s1 =	rddreg [dreg:$0x1]  }
0x3: {  	s0 =	rddreg [dreg:$0x2];
	s2 =	simm.s32 $0x0  }
0x4: {  	s6 =	srdreg.scid;
	s3 =	stileid.u32;
	s12 =	simm.s32 $0x2200  }
0x5: {  	s13 =	simm.s32 $0x100;
	s14 =	simm.s32 $0x4200;
	s15 =	simm.s32 $0x180  }
0x6: {  	s16 =	simm.s32 $0x6200;
	s17 =	simm.s32 $0x1;
	s18 =	simm.s32 $0x0  }
0x7: {  	[smem:$0x7FF] =	sst s2;
	s4 =	sadd.s32 $0x27ACA00, s5;
	s6 =	sand.u32 $0x1, s6  }
0x8: {  	s8 =	sshll.u32 s3, $0x1;
	s9 =	smul.u32 $0x6800, s3;
	s5 =	sadd.s32 $0x600, s5  }
0x9: {  	s7 =	ssub.s32 $0x2, s6;
	s8 =	sor.u32 s6, s8;
	s11 =	smul.u32 $0x3400, s6  }
0xa: {  	_ =	strace $0x80000047;
	s10 =	sshrl.u32 s7, $0x1;
	s6 =	smul.u32 $0x3400, s8  }
0xb: {  	s7 =	ssub.s32 s7, s10;
	s8 =	sadd.s32 s11, s9;
	s9 =	simm.s32 $0x2  }
0xc: {  	v0 =	vlaneseq.u32;
	s10 =	simm.s32 $0x80;
	s11 =	simm.s32 $0x200;
	s7 =	smax.u32 s7, $0x1  }
.LBB2_1:
0xd: {  	s19 =	smov.u32 s8;
	s20 =	simm.s32 $0x0  }
.LBB2_2:
0xe: {  	s21 =	sshll.u32 s20, $0x9  }
0xf: {  	s21 =	sadd.s32 s6, s21  }
0x10: {  	v1 =	vor.u32 s19, v0;
	s22 =	sshrl.u32 s21, $0x3  }
0x11: {  	s23 =	simm.s32 $0x0;
	v2 =	vmulhi.u32 $0x4EC4EC4F, v1;
	s22 =	sadd.s32 s1, s22  }
0x12: {  	[tilespmem:s23], [sflag:$0x2] =	stream.linear.gather [hbm4b:s22+s23], $0x200, $0x38;
	[tilespmem:$0x8200] =	vst v63  }
0x13: {  	v2 =	vshrl.u32 v2, $0x3;
	_ =	swait.ge [sflag:s9], $0x200  }
0x14: {  	v2 =	vmul.u32 $0x1A, v2;
	[sflag:s9] =	ssyncset.done $0x0  }
0x15: {  	s22 =	simm.s32 $0x0;
	[sflag:s9] =	ssyncadd.s32 $0xFFFFFE00  }
0x16: {  	v3 =	vsub.s32 v1, v2;
	v2 =	vld [tilespmem:s22+$0x0];
	_ =	sdelay $0x1  }
0x17: {  	s24 =	sadd.s32 $0x10, s19  }
0x18: {  	s25 =	simm.s32 $0x80;
	s23 =	simm.s32 $0x40;
	v1 =	vor.u32 s24, v0;
	v3 =	vmul.u32 $0x186A0, v3  }
.LBB2_3:
0x19: {  	p0 =	sne.s32 s25, $0x7C0;
	v4 =	vmulhi.u32 $0x4EC4EC4F, v1  }
0x1a: {  	v2 =	vadd.s32 v3, v2  }
.Ltmp0:
0x1b: {  	v3 =	vshrl.u32 v4, $0x3;
	[tilespmem:s22+$0x0] =	vst v2;
	s22 =	sshra.s32 s23, $0x2;
	s23 =	smov.u32 s25;
	(pc) =	sbr.rel @p0 .LBB2_3-.Ltmp0, $3  }
0x1c: {  	v3 =	vmul.u32 $0x1A, v3;
	v2 =	vld [tilespmem:s22+$0x0];
	_ =	sdelay $0x1  }
0x1d: {  	s24 =	sadd.s32 $0x10, s24;
	v3 =	vsub.s32 v1, v3  }
0x1e: {  	s25 =	sadd.s32 $0x40, s25;
	v1 =	vor.u32 s24, v0;
	v3 =	vmul.u32 $0x186A0, v3  }
0x1f: {  	v4 =	vmulhi.u32 $0x4EC4EC4F, v1  }
0x20: {  	v2 =	vadd.s32 v3, v2  }
0x21: {  	s23 =	sshra.s32 s23, $0x2;
	v3 =	vshrl.u32 v4, $0x3;
	[tilespmem:s22+$0x0] =	vst v2  }
0x22: {  	v2 =	vmul.u32 $0x1A, v3;
	v3 =	vld [tilespmem:s23+$0x0];
	_ =	sdelay $0x1  }
0x23: {  	v1 =	vsub.s32 v1, v2  }
0x24: {  	v1 =	vmul.u32 $0x186A0, v1;
	_ =	sdelay $0x1  }
0x25: {  	v1 =	vadd.s32 v1, v3  }
0x26: {  	[tilespmem:s23+$0x0] =	vst v1  }
0x27: {  	[tilespmem:s11], [sflag:$0x1] =	stream.indirect.gather [hbm4b:s4+s10], $0x40, s2, s10, $0xb8;
	[tilespmem:$0x8200] =	vst v63  }
0x28: {  	_ = 	snop  }
0x29: {  	[tilespmem:s12], [sflag:$0x1] =	stream.indirect.gather [hbm4b:s4+s10], $0x40, s10, s10, $0xb8;
	[tilespmem:$0x8200] =	vst v63  }
0x2a: {  	_ = 	snop  }
0x2b: {  	[tilespmem:s14], [sflag:$0x1] =	stream.indirect.gather [hbm4b:s4+s10], $0x40, s13, s10, $0xb8;
	[tilespmem:$0x8200] =	vst v63  }
0x2c: {  	_ = 	snop  }
0x2d: {  	[tilespmem:s16], [sflag:$0x1] =	stream.indirect.gather [hbm4b:s4+s10], $0x40, s15, s10, $0xb8;
	[tilespmem:$0x8200] =	vst v63  }
0x2e: {  	_ =	swait.ge [sflag:s17], $0x2000  }
0x2f: {  	[sflag:s17] =	ssyncset.done $0x0  }
0x30: {  	[sflag:s17] =	ssyncadd.s32 $0xFFFFE000  }
0x31: {  	_ =	swait.ge [sflag:s17], $0x2000  }
0x32: {  	[sflag:s17] =	ssyncset.done $0x0  }
0x33: {  	[sflag:s17] =	ssyncadd.s32 $0xFFFFE000  }
0x34: {  	_ =	swait.ge [sflag:s17], $0x2000  }
0x35: {  	[sflag:s17] =	ssyncset.done $0x0  }
0x36: {  	[sflag:s17] =	ssyncadd.s32 $0xFFFFE000  }
0x37: {  	s20 =	sadd.s32 $0x1, s20;
	_ =	swait.ge [sflag:s17], $0x2000  }
0x38: {  	s21 =	sshll.u32 s21, $0x3;
	p0 =	sne.s32 s20, $0x1A;
	[sflag:s17] =	ssyncset.done $0x0  }
.Ltmp1:
0x39: {  	s21 =	sadd.s32 s5, s21;
	[sflag:s17] =	ssyncadd.s32 $0xFFFFE000;
	(pc) =	sbr.rel @p0 .LBB2_2-.Ltmp1, $4  }
0x3a: {  	[hbm4b:s21+s2] =	stream.linear.scatter [tilespmem:s11], [sflag:$0x2], $0x8000, $0x38;
	[tilespmem:$0x8200] =	vst v63  }
0x3b: {  	_ =	swait.ge [sflag:s9], $0x8000  }
0x3c: {  	[sflag:s9] =	ssyncset.done $0x0  }
0x3d: {  	s19 =	sadd.s32 $0x200, s19;
	[sflag:s9] =	ssyncadd.s32 $0xFFFF8000  }
0x3e: {  	s18 =	sadd.s32 $0x1, s18  }
0x3f: {  	p0 =	sne.s32 s18, s7  }
.Ltmp2:
0x40: {  	_ = 	snop;
	(pc) =	sbr.rel @p0 .LBB2_1-.Ltmp2, $1  }
0x41: {  	_ =	sdelay $0x3  }
0x42: {  	_ =	sfence.sel $0x180000  }
0x43: {  	[bflag:$0x0] =	sbarrier.arrive $0xFFFF  }
0x44: {  	p0 =	sne.s32 s3, $0x0;
	_ =	strace $0x90000047  }
0x45: {  	s0 =	sadd.s32 @!p0 $0x100000, s0;
	[bflag:$0x2] =	sbarrier.arrive $0xFFFF  }
0x46: {  	[sflag:s0] =	ssyncadd.tile.s32 @!p0 $0x1;
	_ =	shalt  }
.Lfunc_end2:
_tile_overlayer_lowered:
.L_overlay_start_2:
0x47: {  	(tag) =	ssettag $0x2  }
0x48: {  	s0 =	rddreg [dreg:$0x0];
	s2 =	stileid.u32  }
0x49: {  	s1 =	rddreg [dreg:$0x1];
	p0 =	sne.s32 s2, $0x0  }
0x4a: {  	s3 =	rddreg [dreg:$0x2];
	[bflag:$0x3] =	sbarrier.arrive $0xFFFF;
	s2 =	simm.s32 @!p0 $0x1C02  }
0x4b: {  	[timem:s3], [sflag:s2] =	dma.local @!p0 [hbm:s0], s1  }
0x4c: {  	s0 =	simm.s32 @!p0 $0x2  }
0x4d: {  	_ =	swait.ge @!p0 [sflag:s0], s1  }
0x4e: {  	s1 =	ssub.s32 @!p0 $0x0, s1;
	[sflag:s0] =	ssyncset.done @!p0 $0x0  }
0x4f: {  	[sflag:s0] =	ssyncadd.s32 @!p0 s1  }
0x50: {  	[bflag:$0x3] =	sbarrier.arrive $0xFFFF  }
0x51: {  	_ =	shalt  }

</sc_bundles>
